<compile_context>
chip_gen: v7x
topology: tpu7x:2x2x1
jax: 0.10.2.dev20260603
libtpu: 0.0.44.dev20260713+nightly
codegen_flags: <defaults>
</compile_context>

<pallas_src>
import functools

import jax
import jax.numpy as jnp
from jax import lax
from jax.experimental import pallas as pl
from jax.experimental.pallas import tpu as pltpu
from jax.experimental.pallas import tpu_sc as plsc

_D = 8
_LANES = 16


def _sc_codebook(x_planes, n_rows):
    info = plsc.get_sparse_core_info()
    nw = info.num_cores * info.num_subcores
    rows_per_w = n_rows // nw
    t_blks = rows_per_w // 128
    mesh = plsc.VectorSubcoreMesh(core_axis_name="c", subcore_axis_name="s")

    @functools.partial(
        pl.kernel,
        out_type=jax.ShapeDtypeStruct((nw // 8 * t_blks, 8, 128), jnp.int32),
        mesh=mesh,
        scratch_types=[
            pltpu.VMEM((rows_per_w * _D,), jnp.float32),
            pltpu.VMEM((t_blks, 1, 128), jnp.int32),
        ],
        compiler_params=pltpu.CompilerParams(needs_layout_passes=False),
    )
    def k(x_hbm, out_hbm, xbuf, obuf):
        wid = lax.axis_index("s") * info.num_cores + lax.axis_index("c")
        base_in = wid * rows_per_w * _D
        pltpu.sync_copy(x_hbm.at[pl.ds(base_in, rows_per_w * _D)], xbuf)

        def body(i, carry):
            goff = (i >> 3) * 512 + (i & 7) * _LANES
            acc = jnp.zeros((_LANES,), jnp.int32)
            tacc = jnp.zeros((_LANES,), jnp.int32)
            g0 = jnp.zeros((_LANES,), jnp.float32)
            sq = []
            for j in range(_D):
                c, p = j // 4, j % 4
                col = xbuf[pl.ds(goff + (c * (rows_per_w * 4) + p * 128), _LANES)]
                u = plsc.bitcast(col, jnp.uint32)
                xb = plsc.bitcast(
                    (u + jnp.uint32(0x8000)) & jnp.uint32(0xFFFF0000),
                    jnp.float32)
                m = xb > 0.5
                acc = acc | jnp.where(m, jnp.int32(1 << j), jnp.int32(0))
                tacc = tacc | jnp.where(
                    xb == 0.5, jnp.int32(1 << j), jnp.int32(0))
                g0 = g0 + jnp.where(m, xb, jnp.float32(0.0))
                sq.append(col * col)
            y = [sq[s] + sq[s + 4] for s in range(4)]
            z = [y[s] + y[s + 2] for s in range(2)]
            s2 = z[0] + z[1]
            v = (acc & 0x55) + ((acc >> 1) & 0x55)
            v = (v & 0x33) + ((v >> 2) & 0x33)
            v = (v + (v >> 4)) & 0x0F
            n0 = v.astype(jnp.float32)
            tg = 2.0 * g0
            d0 = (s2 - tg) + n0
            d1 = (s2 - (tg + 1.0)) + (n0 + 1.0)
            acc = acc | jnp.where(d1 < d0, tacc, jnp.int32(0))
            obuf[i >> 3, 0, pl.ds((i & 7) * _LANES, _LANES)] = acc
            return carry

        lax.fori_loop(0, rows_per_w // _LANES, body, 0)
        pltpu.sync_copy(
            obuf,
            out_hbm.at[pl.ds((wid // 8) * t_blks, t_blks),
                       pl.ds(wid % 8, 1), :])

    return k(x_planes)


def kernel(projection_windows, emb_weight):
    shape = projection_windows.shape
    b, t = shape[0], shape[1]
    n_rows = b * t
    planes = jnp.transpose(
        projection_windows.reshape(b, t // 128, 128, 2, 4),
        (0, 3, 1, 4, 2)).reshape(-1)
    out = _sc_codebook(planes, n_rows)
    return (out.reshape(b // 8, t // 128, 8, 128)
            .transpose(0, 2, 1, 3).reshape(b, t))

# --- scband reference (transcript-rebuilt; emitter-appended) ---
"""Pipeline reference for scband-codebook-16028817949186 (READ-ONLY COPY).

The authoritative reference and input builder live on the scoring server;
editing this copy changes nothing except your own understanding.
"""

import jax, jax.numpy as jnp
import numpy as np

N_BINS = 4          # len(bin_frames)
TOTAL_BINS = 2 * N_BINS
N_CLASSES = 2 ** TOTAL_BINS  # 256


def create_code_vectors():
    # embs[i, j] = j-th binary digit of i, LSB first (matches single_idx_to_onehot)
    idx = jnp.arange(N_CLASSES, dtype=jnp.int32)
    bit_pos = jnp.arange(TOTAL_BINS, dtype=jnp.int32)
    bits = (idx[:, None] >> bit_pos[None, :]) & 1
    return bits.astype(jnp.float32)


def setup_inputs(seed: int = 0) -> dict:
    key = jax.random.key(seed)
    projection_windows = jax.random.uniform(key, (32, 8192, 2, N_BINS), dtype=jnp.float32)
    emb_weight = create_code_vectors()  # frozen parameter (256, 8)
    return {"projection_windows": projection_windows, "emb_weight": emb_weight}


def reference(projection_windows, emb_weight):
    shape = projection_windows.shape
    assert shape[-2:] == (2, N_BINS)
    # rearrange '... c bpp -> (...) (c bpp)'
    flatten = projection_windows.reshape(-1, 2 * N_BINS)
    embed = emb_weight.T  # (8, 256)
    dist = -(jnp.sum(flatten ** 2, axis=1, keepdims=True)
             - 2.0 * (flatten @ embed)
             + jnp.sum(embed ** 2, axis=0, keepdims=True))
    embed_ind = jnp.argmax(dist, axis=-1)
    return embed_ind.reshape(shape[:-2])

if __name__ == "__main__":
    import jax
    _d = setup_inputs()
    print(jax.jit(kernel)(*tuple(_d.values())))

</pallas_src>

<mosaic_0001>
#map = affine_map<(d0, d1) -> (0)>
#map1 = affine_map<(d0, d1) -> (0, 0, 0)>
module attributes {stable_mosaic.version = 14 : i64} {
  func.func @k(%arg0: i32, %arg1: i32, %arg2: memref<2097152xf32, #tpu.memory_space<hbm>>, %arg3: memref<256x8x128xi32, #tpu.memory_space<hbm>>, %arg4: memref<65536xf32, #tpu.memory_space<vmem>>, %arg5: memref<64x1x128xi32, #tpu.memory_space<vmem>>) attributes {dimension_semantics = [#tpu.dimension_semantics<core_parallel>, #tpu.dimension_semantics<subcore_parallel>], iteration_bounds = array<i64: 2, 16>, scalar_prefetch = 0 : i64, scratch_operands = 2 : i64, tpu.core_type = #tpu.core_type<sc_vector_subcore>, window_params = [{transform_indices = #map}, {transform_indices = #map1}]} {
    %mul3A = arith.constant 2 : i32
    %mul3A_0 = arith.muli %arg1, %mul3A : i32
    %add3A = arith.addi %mul3A_0, %arg0 : i32
    %mul3A_1 = arith.constant 8192 : i32
    %mul3A_2 = arith.muli %add3A, %mul3A_1 : i32
    %mul3A_3 = arith.constant 8 : i32
    %mul3A_4 = arith.muli %mul3A_2, %mul3A_3 : i32
    "tpu.region"() ({
      %run_scoped3A = tpu.sem_alloc : memref<!tpu.dma_semaphore, #tpu.memory_space<semaphore_mem>>
      %dma_start3A = tpu.memref_slice %arg2[%mul3A_4] : memref<2097152xf32, #tpu.memory_space<hbm>> -> memref<65536xf32, #tpu.memory_space<hbm>>
      %dma_start3A_42 = tpu.memref_slice %arg2[%mul3A_4] : memref<2097152xf32, #tpu.memory_space<hbm>> -> memref<65536xf32, #tpu.memory_space<hbm>>
      tpu.enqueue_dma source(%dma_start3A_42 : memref<65536xf32, #tpu.memory_space<hbm>>) target(%arg4 : memref<65536xf32, #tpu.memory_space<vmem>>) target_semaphore(%run_scoped3A : memref<!tpu.dma_semaphore, #tpu.memory_space<semaphore_mem>>)
      %dma_wait3A = tpu.memref_slice %arg2[%mul3A_4] : memref<2097152xf32, #tpu.memory_space<hbm>> -> memref<65536xf32, #tpu.memory_space<hbm>>
      %dma_wait3A_43 = tpu.memref_slice %arg2[%mul3A_4] : memref<2097152xf32, #tpu.memory_space<hbm>> -> memref<65536xf32, #tpu.memory_space<hbm>>
      tpu.wait_dma2 semaphore(%run_scoped3A : memref<!tpu.dma_semaphore, #tpu.memory_space<semaphore_mem>>) src(%dma_wait3A_43 : memref<65536xf32, #tpu.memory_space<hbm>>) dst(%arg4 : memref<65536xf32, #tpu.memory_space<vmem>>)
      tpu.yield
    }) : () -> ()
    %scan3A = arith.constant 0 : i32
    %scan3A_5 = arith.constant 0 : i32
    %scan3A_6 = arith.constant 512 : i32
    %scan3A_7 = arith.addi %scan3A_5, %scan3A_6 : i32
    %scan3A_8 = arith.constant 1 : i32
    scf.for %scan3A_42 = %scan3A_5 to %scan3A_7 step %scan3A_8  : i32 {
      %shift_right_arithmetic3A = arith.constant 3 : i32
      %shift_right_arithmetic3A_43 = arith.shrsi %scan3A_42, %shift_right_arithmetic3A : i32
      %mul3A_44 = arith.constant 512 : i32
      %mul3A_45 = arith.muli %shift_right_arithmetic3A_43, %mul3A_44 : i32
      %and3A_46 = arith.constant 7 : i32
      %and3A_47 = arith.andi %scan3A_42, %and3A_46 : i32
      %mul3A_48 = arith.constant 16 : i32
      %mul3A_49 = arith.muli %and3A_47, %mul3A_48 : i32
      %add3A_50 = arith.addi %mul3A_45, %mul3A_49 : i32
      %broadcast_in_dim3A = arith.constant 0 : i32
      %broadcast_in_dim3A_51 = vector.broadcast %broadcast_in_dim3A : i32 to vector<16xi32>
      %broadcast_in_dim3A_52 = arith.constant 0 : i32
      %broadcast_in_dim3A_53 = vector.broadcast %broadcast_in_dim3A_52 : i32 to vector<16xi32>
      %broadcast_in_dim3A_54 = arith.constant 0.000000e+00 : f32
      %broadcast_in_dim3A_55 = vector.broadcast %broadcast_in_dim3A_54 : f32 to vector<16xf32>
      %add3A_56 = arith.constant 0 : i32
      %add3A_57 = arith.addi %add3A_50, %add3A_56 : i32
      %get3A = arith.index_cast %add3A_57 : i32 to index
      %get3A_58 = tpu.vector_load %arg4[%get3A] {strides = array<i32>} : memref<65536xf32, #tpu.memory_space<vmem>>, vector<16xf32>,
      %bitcast3A = vector.bitcast %get3A_58 : vector<16xf32> to vector<16xi32>
      %add3A_59 = arith.constant 32768 : i32
      %add3A_60 = vector.broadcast %add3A_59 : i32 to vector<16xi32>
      %add3A_61 = arith.addi %bitcast3A, %add3A_60 : vector<16xi32>
      %and3A_62 = arith.constant -65536 : i32
      %and3A_63 = vector.broadcast %and3A_62 : i32 to vector<16xi32>
      %and3A_64 = arith.andi %add3A_61, %and3A_63 : vector<16xi32>
      %bitcast3A_65 = vector.bitcast %and3A_64 : vector<16xi32> to vector<16xf32>
      %gt3A = arith.constant 5.000000e-01 : f32
      %gt3A_66 = vector.broadcast %gt3A : f32 to vector<16xf32>
      %gt3A_67 = arith.cmpf ogt, %bitcast3A_65, %gt3A_66 : vector<16xf32>
      %jit3A_68 = arith.constant 1 : i32
      %jit3A_69 = arith.constant 0 : i32
      %broadcast_in_dim3A_70 = vector.broadcast %jit3A_68 : i32 to vector<16xi32>
      %broadcast_in_dim3A_71 = vector.broadcast %jit3A_69 : i32 to vector<16xi32>
      %select_n3A_72 = arith.select %gt3A_67, %broadcast_in_dim3A_70, %broadcast_in_dim3A_71 : vector<16xi1>, vector<16xi32>
      %or3A = arith.ori %broadcast_in_dim3A_51, %select_n3A_72 : vector<16xi32>
      %eq3A_73 = arith.constant 5.000000e-01 : f32
      %eq3A_74 = vector.broadcast %eq3A_73 : f32 to vector<16xf32>
      %eq3A_75 = arith.cmpf oeq, %bitcast3A_65, %eq3A_74 : vector<16xf32>
      %jit3A_76 = arith.constant 1 : i32
      %jit3A_77 = arith.constant 0 : i32
      %broadcast_in_dim3A_78 = vector.broadcast %jit3A_76 : i32 to vector<16xi32>
      %broadcast_in_dim3A_79 = vector.broadcast %jit3A_77 : i32 to vector<16xi32>
      %select_n3A_80 = arith.select %eq3A_75, %broadcast_in_dim3A_78, %broadcast_in_dim3A_79 : vector<16xi1>, vector<16xi32>
      %or3A_81 = arith.ori %broadcast_in_dim3A_53, %select_n3A_80 : vector<16xi32>
      %jit3A_82 = arith.constant 0.000000e+00 : f32
      %broadcast_in_dim3A_83 = vector.broadcast %jit3A_82 : f32 to vector<16xf32>
      %select_n3A_84 = arith.select %gt3A_67, %bitcast3A_65, %broadcast_in_dim3A_83 : vector<16xi1>, vector<16xf32>
      %add3A_85 = arith.addf %broadcast_in_dim3A_55, %select_n3A_84 : vector<16xf32>
      %mul3A_86 = arith.mulf %get3A_58, %get3A_58 : vector<16xf32>
      %add3A_87 = arith.constant 128 : i32
      %add3A_88 = arith.addi %add3A_50, %add3A_87 : i32
      %get3A_89 = arith.index_cast %add3A_88 : i32 to index
      %get3A_90 = tpu.vector_load %arg4[%get3A_89] {strides = array<i32>} : memref<65536xf32, #tpu.memory_space<vmem>>, vector<16xf32>,
      %bitcast3A_91 = vector.bitcast %get3A_90 : vector<16xf32> to vector<16xi32>
      %add3A_92 = arith.constant 32768 : i32
      %add3A_93 = vector.broadcast %add3A_92 : i32 to vector<16xi32>
      %add3A_94 = arith.addi %bitcast3A_91, %add3A_93 : vector<16xi32>
      %and3A_95 = arith.constant -65536 : i32
      %and3A_96 = vector.broadcast %and3A_95 : i32 to vector<16xi32>
      %and3A_97 = arith.andi %add3A_94, %and3A_96 : vector<16xi32>
      %bitcast3A_98 = vector.bitcast %and3A_97 : vector<16xi32> to vector<16xf32>
      %gt3A_99 = arith.constant 5.000000e-01 : f32
      %gt3A_100 = vector.broadcast %gt3A_99 : f32 to vector<16xf32>
      %gt3A_101 = arith.cmpf ogt, %bitcast3A_98, %gt3A_100 : vector<16xf32>
      %jit3A_102 = arith.constant 2 : i32
      %jit3A_103 = arith.constant 0 : i32
      %broadcast_in_dim3A_104 = vector.broadcast %jit3A_102 : i32 to vector<16xi32>
      %broadcast_in_dim3A_105 = vector.broadcast %jit3A_103 : i32 to vector<16xi32>
      %select_n3A_106 = arith.select %gt3A_101, %broadcast_in_dim3A_104, %broadcast_in_dim3A_105 : vector<16xi1>, vector<16xi32>
      %or3A_107 = arith.ori %or3A, %select_n3A_106 : vector<16xi32>
      %eq3A_108 = arith.constant 5.000000e-01 : f32
      %eq3A_109 = vector.broadcast %eq3A_108 : f32 to vector<16xf32>
      %eq3A_110 = arith.cmpf oeq, %bitcast3A_98, %eq3A_109 : vector<16xf32>
      %jit3A_111 = arith.constant 2 : i32
      %jit3A_112 = arith.constant 0 : i32
      %broadcast_in_dim3A_113 = vector.broadcast %jit3A_111 : i32 to vector<16xi32>
      %broadcast_in_dim3A_114 = vector.broadcast %jit3A_112 : i32 to vector<16xi32>
      %select_n3A_115 = arith.select %eq3A_110, %broadcast_in_dim3A_113, %broadcast_in_dim3A_114 : vector<16xi1>, vector<16xi32>
      %or3A_116 = arith.ori %or3A_81, %select_n3A_115 : vector<16xi32>
      %jit3A_117 = arith.constant 0.000000e+00 : f32
      %broadcast_in_dim3A_118 = vector.broadcast %jit3A_117 : f32 to vector<16xf32>
      %select_n3A_119 = arith.select %gt3A_101, %bitcast3A_98, %broadcast_in_dim3A_118 : vector<16xi1>, vector<16xf32>
      %add3A_120 = arith.addf %add3A_85, %select_n3A_119 : vector<16xf32>
      %mul3A_121 = arith.mulf %get3A_90, %get3A_90 : vector<16xf32>
      %add3A_122 = arith.constant 256 : i32
      %add3A_123 = arith.addi %add3A_50, %add3A_122 : i32
      %get3A_124 = arith.index_cast %add3A_123 : i32 to index
      %get3A_125 = tpu.vector_load %arg4[%get3A_124] {strides = array<i32>} : memref<65536xf32, #tpu.memory_space<vmem>>, vector<16xf32>,
      %bitcast3A_126 = vector.bitcast %get3A_125 : vector<16xf32> to vector<16xi32>
      %add3A_127 = arith.constant 32768 : i32
      %add3A_128 = vector.broadcast %add3A_127 : i32 to vector<16xi32>
      %add3A_129 = arith.addi %bitcast3A_126, %add3A_128 : vector<16xi32>
      %and3A_130 = arith.constant -65536 : i32
      %and3A_131 = vector.broadcast %and3A_130 : i32 to vector<16xi32>
      %and3A_132 = arith.andi %add3A_129, %and3A_131 : vector<16xi32>
      %bitcast3A_133 = vector.bitcast %and3A_132 : vector<16xi32> to vector<16xf32>
      %gt3A_134 = arith.constant 5.000000e-01 : f32
      %gt3A_135 = vector.broadcast %gt3A_134 : f32 to vector<16xf32>
      %gt3A_136 = arith.cmpf ogt, %bitcast3A_133, %gt3A_135 : vector<16xf32>
      %jit3A_137 = arith.constant 4 : i32
      %jit3A_138 = arith.constant 0 : i32
      %broadcast_in_dim3A_139 = vector.broadcast %jit3A_137 : i32 to vector<16xi32>
      %broadcast_in_dim3A_140 = vector.broadcast %jit3A_138 : i32 to vector<16xi32>
      %select_n3A_141 = arith.select %gt3A_136, %broadcast_in_dim3A_139, %broadcast_in_dim3A_140 : vector<16xi1>, vector<16xi32>
      %or3A_142 = arith.ori %or3A_107, %select_n3A_141 : vector<16xi32>
      %eq3A_143 = arith.constant 5.000000e-01 : f32
      %eq3A_144 = vector.broadcast %eq3A_143 : f32 to vector<16xf32>
      %eq3A_145 = arith.cmpf oeq, %bitcast3A_133, %eq3A_144 : vector<16xf32>
      %jit3A_146 = arith.constant 4 : i32
      %jit3A_147 = arith.constant 0 : i32
      %broadcast_in_dim3A_148 = vector.broadcast %jit3A_146 : i32 to vector<16xi32>
      %broadcast_in_dim3A_149 = vector.broadcast %jit3A_147 : i32 to vector<16xi32>
      %select_n3A_150 = arith.select %eq3A_145, %broadcast_in_dim3A_148, %broadcast_in_dim3A_149 : vector<16xi1>, vector<16xi32>
      %or3A_151 = arith.ori %or3A_116, %select_n3A_150 : vector<16xi32>
      %jit3A_152 = arith.constant 0.000000e+00 : f32
      %broadcast_in_dim3A_153 = vector.broadcast %jit3A_152 : f32 to vector<16xf32>
      %select_n3A_154 = arith.select %gt3A_136, %bitcast3A_133, %broadcast_in_dim3A_153 : vector<16xi1>, vector<16xf32>
      %add3A_155 = arith.addf %add3A_120, %select_n3A_154 : vector<16xf32>
      %mul3A_156 = arith.mulf %get3A_125, %get3A_125 : vector<16xf32>
      %add3A_157 = arith.constant 384 : i32
      %add3A_158 = arith.addi %add3A_50, %add3A_157 : i32
      %get3A_159 = arith.index_cast %add3A_158 : i32 to index
      %get3A_160 = tpu.vector_load %arg4[%get3A_159] {strides = array<i32>} : memref<65536xf32, #tpu.memory_space<vmem>>, vector<16xf32>,
      %bitcast3A_161 = vector.bitcast %get3A_160 : vector<16xf32> to vector<16xi32>
      %add3A_162 = arith.constant 32768 : i32
      %add3A_163 = vector.broadcast %add3A_162 : i32 to vector<16xi32>
      %add3A_164 = arith.addi %bitcast3A_161, %add3A_163 : vector<16xi32>
      %and3A_165 = arith.constant -65536 : i32
      %and3A_166 = vector.broadcast %and3A_165 : i32 to vector<16xi32>
      %and3A_167 = arith.andi %add3A_164, %and3A_166 : vector<16xi32>
      %bitcast3A_168 = vector.bitcast %and3A_167 : vector<16xi32> to vector<16xf32>
      %gt3A_169 = arith.constant 5.000000e-01 : f32
      %gt3A_170 = vector.broadcast %gt3A_169 : f32 to vector<16xf32>
      %gt3A_171 = arith.cmpf ogt, %bitcast3A_168, %gt3A_170 : vector<16xf32>
      %jit3A_172 = arith.constant 8 : i32
      %jit3A_173 = arith.constant 0 : i32
      %broadcast_in_dim3A_174 = vector.broadcast %jit3A_172 : i32 to vector<16xi32>
      %broadcast_in_dim3A_175 = vector.broadcast %jit3A_173 : i32 to vector<16xi32>
      %select_n3A_176 = arith.select %gt3A_171, %broadcast_in_dim3A_174, %broadcast_in_dim3A_175 : vector<16xi1>, vector<16xi32>
      %or3A_177 = arith.ori %or3A_142, %select_n3A_176 : vector<16xi32>
      %eq3A_178 = arith.constant 5.000000e-01 : f32
      %eq3A_179 = vector.broadcast %eq3A_178 : f32 to vector<16xf32>
      %eq3A_180 = arith.cmpf oeq, %bitcast3A_168, %eq3A_179 : vector<16xf32>
      %jit3A_181 = arith.constant 8 : i32
      %jit3A_182 = arith.constant 0 : i32
      %broadcast_in_dim3A_183 = vector.broadcast %jit3A_181 : i32 to vector<16xi32>
      %broadcast_in_dim3A_184 = vector.broadcast %jit3A_182 : i32 to vector<16xi32>
      %select_n3A_185 = arith.select %eq3A_180, %broadcast_in_dim3A_183, %broadcast_in_dim3A_184 : vector<16xi1>, vector<16xi32>
      %or3A_186 = arith.ori %or3A_151, %select_n3A_185 : vector<16xi32>
      %jit3A_187 = arith.constant 0.000000e+00 : f32
      %broadcast_in_dim3A_188 = vector.broadcast %jit3A_187 : f32 to vector<16xf32>
      %select_n3A_189 = arith.select %gt3A_171, %bitcast3A_168, %broadcast_in_dim3A_188 : vector<16xi1>, vector<16xf32>
      %add3A_190 = arith.addf %add3A_155, %select_n3A_189 : vector<16xf32>
      %mul3A_191 = arith.mulf %get3A_160, %get3A_160 : vector<16xf32>
      %add3A_192 = arith.constant 32768 : i32
      %add3A_193 = arith.addi %add3A_50, %add3A_192 : i32
      %get3A_194 = arith.index_cast %add3A_193 : i32 to index
      %get3A_195 = tpu.vector_load %arg4[%get3A_194] {strides = array<i32>} : memref<65536xf32, #tpu.memory_space<vmem>>, vector<16xf32>,
      %bitcast3A_196 = vector.bitcast %get3A_195 : vector<16xf32> to vector<16xi32>
      %add3A_197 = arith.constant 32768 : i32
      %add3A_198 = vector.broadcast %add3A_197 : i32 to vector<16xi32>
      %add3A_199 = arith.addi %bitcast3A_196, %add3A_198 : vector<16xi32>
      %and3A_200 = arith.constant -65536 : i32
      %and3A_201 = vector.broadcast %and3A_200 : i32 to vector<16xi32>
      %and3A_202 = arith.andi %add3A_199, %and3A_201 : vector<16xi32>
      %bitcast3A_203 = vector.bitcast %and3A_202 : vector<16xi32> to vector<16xf32>
      %gt3A_204 = arith.constant 5.000000e-01 : f32
      %gt3A_205 = vector.broadcast %gt3A_204 : f32 to vector<16xf32>
      %gt3A_206 = arith.cmpf ogt, %bitcast3A_203, %gt3A_205 : vector<16xf32>
      %jit3A_207 = arith.constant 16 : i32
      %jit3A_208 = arith.constant 0 : i32
      %broadcast_in_dim3A_209 = vector.broadcast %jit3A_207 : i32 to vector<16xi32>
      %broadcast_in_dim3A_210 = vector.broadcast %jit3A_208 : i32 to vector<16xi32>
      %select_n3A_211 = arith.select %gt3A_206, %broadcast_in_dim3A_209, %broadcast_in_dim3A_210 : vector<16xi1>, vector<16xi32>
      %or3A_212 = arith.ori %or3A_177, %select_n3A_211 : vector<16xi32>
      %eq3A_213 = arith.constant 5.000000e-01 : f32
      %eq3A_214 = vector.broadcast %eq3A_213 : f32 to vector<16xf32>
      %eq3A_215 = arith.cmpf oeq, %bitcast3A_203, %eq3A_214 : vector<16xf32>
      %jit3A_216 = arith.constant 16 : i32
      %jit3A_217 = arith.constant 0 : i32
      %broadcast_in_dim3A_218 = vector.broadcast %jit3A_216 : i32 to vector<16xi32>
      %broadcast_in_dim3A_219 = vector.broadcast %jit3A_217 : i32 to vector<16xi32>
      %select_n3A_220 = arith.select %eq3A_215, %broadcast_in_dim3A_218, %broadcast_in_dim3A_219 : vector<16xi1>, vector<16xi32>
      %or3A_221 = arith.ori %or3A_186, %select_n3A_220 : vector<16xi32>
      %jit3A_222 = arith.constant 0.000000e+00 : f32
      %broadcast_in_dim3A_223 = vector.broadcast %jit3A_222 : f32 to vector<16xf32>
      %select_n3A_224 = arith.select %gt3A_206, %bitcast3A_203, %broadcast_in_dim3A_223 : vector<16xi1>, vector<16xf32>
      %add3A_225 = arith.addf %add3A_190, %select_n3A_224 : vector<16xf32>
      %mul3A_226 = arith.mulf %get3A_195, %get3A_195 : vector<16xf32>
      %add3A_227 = arith.constant 32896 : i32
      %add3A_228 = arith.addi %add3A_50, %add3A_227 : i32
      %get3A_229 = arith.index_cast %add3A_228 : i32 to index
      %get3A_230 = tpu.vector_load %arg4[%get3A_229] {strides = array<i32>} : memref<65536xf32, #tpu.memory_space<vmem>>, vector<16xf32>,
      %bitcast3A_231 = vector.bitcast %get3A_230 : vector<16xf32> to vector<16xi32>
      %add3A_232 = arith.constant 32768 : i32
      %add3A_233 = vector.broadcast %add3A_232 : i32 to vector<16xi32>
      %add3A_234 = arith.addi %bitcast3A_231, %add3A_233 : vector<16xi32>
      %and3A_235 = arith.constant -65536 : i32
      %and3A_236 = vector.broadcast %and3A_235 : i32 to vector<16xi32>
      %and3A_237 = arith.andi %add3A_234, %and3A_236 : vector<16xi32>
      %bitcast3A_238 = vector.bitcast %and3A_237 : vector<16xi32> to vector<16xf32>
      %gt3A_239 = arith.constant 5.000000e-01 : f32
      %gt3A_240 = vector.broadcast %gt3A_239 : f32 to vector<16xf32>
      %gt3A_241 = arith.cmpf ogt, %bitcast3A_238, %gt3A_240 : vector<16xf32>
      %jit3A_242 = arith.constant 32 : i32
      %jit3A_243 = arith.constant 0 : i32
      %broadcast_in_dim3A_244 = vector.broadcast %jit3A_242 : i32 to vector<16xi32>
      %broadcast_in_dim3A_245 = vector.broadcast %jit3A_243 : i32 to vector<16xi32>
      %select_n3A_246 = arith.select %gt3A_241, %broadcast_in_dim3A_244, %broadcast_in_dim3A_245 : vector<16xi1>, vector<16xi32>
      %or3A_247 = arith.ori %or3A_212, %select_n3A_246 : vector<16xi32>
      %eq3A_248 = arith.constant 5.000000e-01 : f32
      %eq3A_249 = vector.broadcast %eq3A_248 : f32 to vector<16xf32>
      %eq3A_250 = arith.cmpf oeq, %bitcast3A_238, %eq3A_249 : vector<16xf32>
      %jit3A_251 = arith.constant 32 : i32
      %jit3A_252 = arith.constant 0 : i32
      %broadcast_in_dim3A_253 = vector.broadcast %jit3A_251 : i32 to vector<16xi32>
      %broadcast_in_dim3A_254 = vector.broadcast %jit3A_252 : i32 to vector<16xi32>
      %select_n3A_255 = arith.select %eq3A_250, %broadcast_in_dim3A_253, %broadcast_in_dim3A_254 : vector<16xi1>, vector<16xi32>
      %or3A_256 = arith.ori %or3A_221, %select_n3A_255 : vector<16xi32>
      %jit3A_257 = arith.constant 0.000000e+00 : f32
      %broadcast_in_dim3A_258 = vector.broadcast %jit3A_257 : f32 to vector<16xf32>
      %select_n3A_259 = arith.select %gt3A_241, %bitcast3A_238, %broadcast_in_dim3A_258 : vector<16xi1>, vector<16xf32>
      %add3A_260 = arith.addf %add3A_225, %select_n3A_259 : vector<16xf32>
      %mul3A_261 = arith.mulf %get3A_230, %get3A_230 : vector<16xf32>
      %add3A_262 = arith.constant 33024 : i32
      %add3A_263 = arith.addi %add3A_50, %add3A_262 : i32
      %get3A_264 = arith.index_cast %add3A_263 : i32 to index
      %get3A_265 = tpu.vector_load %arg4[%get3A_264] {strides = array<i32>} : memref<65536xf32, #tpu.memory_space<vmem>>, vector<16xf32>,
      %bitcast3A_266 = vector.bitcast %get3A_265 : vector<16xf32> to vector<16xi32>
      %add3A_267 = arith.constant 32768 : i32
      %add3A_268 = vector.broadcast %add3A_267 : i32 to vector<16xi32>
      %add3A_269 = arith.addi %bitcast3A_266, %add3A_268 : vector<16xi32>
      %and3A_270 = arith.constant -65536 : i32
      %and3A_271 = vector.broadcast %and3A_270 : i32 to vector<16xi32>
      %and3A_272 = arith.andi %add3A_269, %and3A_271 : vector<16xi32>
      %bitcast3A_273 = vector.bitcast %and3A_272 : vector<16xi32> to vector<16xf32>
      %gt3A_274 = arith.constant 5.000000e-01 : f32
      %gt3A_275 = vector.broadcast %gt3A_274 : f32 to vector<16xf32>
      %gt3A_276 = arith.cmpf ogt, %bitcast3A_273, %gt3A_275 : vector<16xf32>
      %jit3A_277 = arith.constant 64 : i32
      %jit3A_278 = arith.constant 0 : i32
      %broadcast_in_dim3A_279 = vector.broadcast %jit3A_277 : i32 to vector<16xi32>
      %broadcast_in_dim3A_280 = vector.broadcast %jit3A_278 : i32 to vector<16xi32>
      %select_n3A_281 = arith.select %gt3A_276, %broadcast_in_dim3A_279, %broadcast_in_dim3A_280 : vector<16xi1>, vector<16xi32>
      %or3A_282 = arith.ori %or3A_247, %select_n3A_281 : vector<16xi32>
      %eq3A_283 = arith.constant 5.000000e-01 : f32
      %eq3A_284 = vector.broadcast %eq3A_283 : f32 to vector<16xf32>
      %eq3A_285 = arith.cmpf oeq, %bitcast3A_273, %eq3A_284 : vector<16xf32>
      %jit3A_286 = arith.constant 64 : i32
      %jit3A_287 = arith.constant 0 : i32
      %broadcast_in_dim3A_288 = vector.broadcast %jit3A_286 : i32 to vector<16xi32>
      %broadcast_in_dim3A_289 = vector.broadcast %jit3A_287 : i32 to vector<16xi32>
      %select_n3A_290 = arith.select %eq3A_285, %broadcast_in_dim3A_288, %broadcast_in_dim3A_289 : vector<16xi1>, vector<16xi32>
      %or3A_291 = arith.ori %or3A_256, %select_n3A_290 : vector<16xi32>
      %jit3A_292 = arith.constant 0.000000e+00 : f32
      %broadcast_in_dim3A_293 = vector.broadcast %jit3A_292 : f32 to vector<16xf32>
      %select_n3A_294 = arith.select %gt3A_276, %bitcast3A_273, %broadcast_in_dim3A_293 : vector<16xi1>, vector<16xf32>
      %add3A_295 = arith.addf %add3A_260, %select_n3A_294 : vector<16xf32>
      %mul3A_296 = arith.mulf %get3A_265, %get3A_265 : vector<16xf32>
      %add3A_297 = arith.constant 33152 : i32
      %add3A_298 = arith.addi %add3A_50, %add3A_297 : i32
      %get3A_299 = arith.index_cast %add3A_298 : i32 to index
      %get3A_300 = tpu.vector_load %arg4[%get3A_299] {strides = array<i32>} : memref<65536xf32, #tpu.memory_space<vmem>>, vector<16xf32>,
      %bitcast3A_301 = vector.bitcast %get3A_300 : vector<16xf32> to vector<16xi32>
      %add3A_302 = arith.constant 32768 : i32
      %add3A_303 = vector.broadcast %add3A_302 : i32 to vector<16xi32>
      %add3A_304 = arith.addi %bitcast3A_301, %add3A_303 : vector<16xi32>
      %and3A_305 = arith.constant -65536 : i32
      %and3A_306 = vector.broadcast %and3A_305 : i32 to vector<16xi32>
      %and3A_307 = arith.andi %add3A_304, %and3A_306 : vector<16xi32>
      %bitcast3A_308 = vector.bitcast %and3A_307 : vector<16xi32> to vector<16xf32>
      %gt3A_309 = arith.constant 5.000000e-01 : f32
      %gt3A_310 = vector.broadcast %gt3A_309 : f32 to vector<16xf32>
      %gt3A_311 = arith.cmpf ogt, %bitcast3A_308, %gt3A_310 : vector<16xf32>
      %jit3A_312 = arith.constant 128 : i32
      %jit3A_313 = arith.constant 0 : i32
      %broadcast_in_dim3A_314 = vector.broadcast %jit3A_312 : i32 to vector<16xi32>
      %broadcast_in_dim3A_315 = vector.broadcast %jit3A_313 : i32 to vector<16xi32>
      %select_n3A_316 = arith.select %gt3A_311, %broadcast_in_dim3A_314, %broadcast_in_dim3A_315 : vector<16xi1>, vector<16xi32>
      %or3A_317 = arith.ori %or3A_282, %select_n3A_316 : vector<16xi32>
      %eq3A_318 = arith.constant 5.000000e-01 : f32
      %eq3A_319 = vector.broadcast %eq3A_318 : f32 to vector<16xf32>
      %eq3A_320 = arith.cmpf oeq, %bitcast3A_308, %eq3A_319 : vector<16xf32>
      %jit3A_321 = arith.constant 128 : i32
      %jit3A_322 = arith.constant 0 : i32
      %broadcast_in_dim3A_323 = vector.broadcast %jit3A_321 : i32 to vector<16xi32>
      %broadcast_in_dim3A_324 = vector.broadcast %jit3A_322 : i32 to vector<16xi32>
      %select_n3A_325 = arith.select %eq3A_320, %broadcast_in_dim3A_323, %broadcast_in_dim3A_324 : vector<16xi1>, vector<16xi32>
      %or3A_326 = arith.ori %or3A_291, %select_n3A_325 : vector<16xi32>
      %jit3A_327 = arith.constant 0.000000e+00 : f32
      %broadcast_in_dim3A_328 = vector.broadcast %jit3A_327 : f32 to vector<16xf32>
      %select_n3A_329 = arith.select %gt3A_311, %bitcast3A_308, %broadcast_in_dim3A_328 : vector<16xi1>, vector<16xf32>
      %add3A_330 = arith.addf %add3A_295, %select_n3A_329 : vector<16xf32>
      %mul3A_331 = arith.mulf %get3A_300, %get3A_300 : vector<16xf32>
      %add3A_332 = arith.addf %mul3A_86, %mul3A_226 : vector<16xf32>
      %add3A_333 = arith.addf %mul3A_121, %mul3A_261 : vector<16xf32>
      %add3A_334 = arith.addf %mul3A_156, %mul3A_296 : vector<16xf32>
      %add3A_335 = arith.addf %mul3A_191, %mul3A_331 : vector<16xf32>
      %add3A_336 = arith.addf %add3A_332, %add3A_334 : vector<16xf32>
      %add3A_337 = arith.addf %add3A_333, %add3A_335 : vector<16xf32>
      %add3A_338 = arith.addf %add3A_336, %add3A_337 : vector<16xf32>
      %and3A_339 = arith.constant 85 : i32
      %and3A_340 = vector.broadcast %and3A_339 : i32 to vector<16xi32>
      %and3A_341 = arith.andi %or3A_317, %and3A_340 : vector<16xi32>
      %shift_right_arithmetic3A_342 = arith.constant 1 : i32
      %shift_right_arithmetic3A_343 = vector.broadcast %shift_right_arithmetic3A_342 : i32 to vector<16xi32>
      %shift_right_arithmetic3A_344 = arith.shrsi %or3A_317, %shift_right_arithmetic3A_343 : vector<16xi32>
      %and3A_345 = arith.constant 85 : i32
      %and3A_346 = vector.broadcast %and3A_345 : i32 to vector<16xi32>
      %and3A_347 = arith.andi %shift_right_arithmetic3A_344, %and3A_346 : vector<16xi32>
      %add3A_348 = arith.addi %and3A_341, %and3A_347 : vector<16xi32>
      %and3A_349 = arith.constant 51 : i32
      %and3A_350 = vector.broadcast %and3A_349 : i32 to vector<16xi32>
      %and3A_351 = arith.andi %add3A_348, %and3A_350 : vector<16xi32>
      %shift_right_arithmetic3A_352 = arith.constant 2 : i32
      %shift_right_arithmetic3A_353 = vector.broadcast %shift_right_arithmetic3A_352 : i32 to vector<16xi32>
      %shift_right_arithmetic3A_354 = arith.shrsi %add3A_348, %shift_right_arithmetic3A_353 : vector<16xi32>
      %and3A_355 = arith.constant 51 : i32
      %and3A_356 = vector.broadcast %and3A_355 : i32 to vector<16xi32>
      %and3A_357 = arith.andi %shift_right_arithmetic3A_354, %and3A_356 : vector<16xi32>
      %add3A_358 = arith.addi %and3A_351, %and3A_357 : vector<16xi32>
      %shift_right_arithmetic3A_359 = arith.constant 4 : i32
      %shift_right_arithmetic3A_360 = vector.broadcast %shift_right_arithmetic3A_359 : i32 to vector<16xi32>
      %shift_right_arithmetic3A_361 = arith.shrsi %add3A_358, %shift_right_arithmetic3A_360 : vector<16xi32>
      %add3A_362 = arith.addi %add3A_358, %shift_right_arithmetic3A_361 : vector<16xi32>
      %and3A_363 = arith.constant 15 : i32
      %and3A_364 = vector.broadcast %and3A_363 : i32 to vector<16xi32>
      %and3A_365 = arith.andi %add3A_362, %and3A_364 : vector<16xi32>
      %convert_element_type3A = arith.sitofp %and3A_365 : vector<16xi32> to vector<16xf32>
      %mul3A_366 = arith.constant 2.000000e+00 : f32
      %mul3A_367 = vector.broadcast %mul3A_366 : f32 to vector<16xf32>
      %mul3A_368 = arith.mulf %mul3A_367, %add3A_330 : vector<16xf32>
      %sub3A_369 = arith.subf %add3A_338, %mul3A_368 : vector<16xf32>
      %add3A_370 = arith.addf %sub3A_369, %convert_element_type3A : vector<16xf32>
      %add3A_371 = arith.constant 1.000000e+00 : f32
      %add3A_372 = vector.broadcast %add3A_371 : f32 to vector<16xf32>
      %add3A_373 = arith.addf %mul3A_368, %add3A_372 : vector<16xf32>
      %sub3A_374 = arith.subf %add3A_338, %add3A_373 : vector<16xf32>
      %add3A_375 = arith.constant 1.000000e+00 : f32
      %add3A_376 = vector.broadcast %add3A_375 : f32 to vector<16xf32>
      %add3A_377 = arith.addf %convert_element_type3A, %add3A_376 : vector<16xf32>
      %add3A_378 = arith.addf %sub3A_374, %add3A_377 : vector<16xf32>
      %lt3A_379 = arith.cmpf olt, %add3A_378, %add3A_370 : vector<16xf32>
      %jit3A_380 = arith.constant 0 : i32
      %broadcast_in_dim3A_381 = vector.broadcast %jit3A_380 : i32 to vector<16xi32>
      %select_n3A_382 = arith.select %lt3A_379, %or3A_326, %broadcast_in_dim3A_381 : vector<16xi1>, vector<16xi32>
      %or3A_383 = arith.ori %or3A_317, %select_n3A_382 : vector<16xi32>
      %shift_right_arithmetic3A_384 = arith.constant 3 : i32
      %shift_right_arithmetic3A_385 = arith.shrsi %scan3A_42, %shift_right_arithmetic3A_384 : i32
      %and3A_386 = arith.constant 7 : i32
      %and3A_387 = arith.andi %scan3A_42, %and3A_386 : i32
      %mul3A_388 = arith.constant 16 : i32
      %mul3A_389 = arith.muli %and3A_387, %mul3A_388 : i32
      %swap3A = arith.constant 0 : i32
      %swap3A_390 = arith.index_cast %shift_right_arithmetic3A_385 : i32 to index
      %swap3A_391 = arith.index_cast %swap3A : i32 to index
      %swap3A_392 = arith.index_cast %mul3A_389 : i32 to index
      %swap3A_393 = tpu.vector_load %arg5[%swap3A_390, %swap3A_391, %swap3A_392] {strides = array<i32>} : memref<64x1x128xi32, #tpu.memory_space<vmem>>, vector<16xi32>,
      tpu.vector_store %arg5[%swap3A_390, %swap3A_391, %swap3A_392], %or3A_383 {strides = array<i32>} : memref<64x1x128xi32, #tpu.memory_space<vmem>>, vector<16xi32>,
    }
    %scan3A_9 = arith.constant 512 : i32
    %jit3A = arith.constant 8 : i32
    %div3A = arith.divsi %add3A, %jit3A : i32
    %sign3A = arith.constant 0 : i32
    %sign3A_10 = arith.cmpi sgt, %add3A, %sign3A : i32
    %sign3A_11 = arith.extui %sign3A_10 : i1 to i32
    %sign3A_12 = arith.constant 0 : i32
    %sign3A_13 = arith.cmpi slt, %add3A, %sign3A_12 : i32
    %sign3A_14 = arith.extui %sign3A_13 : i1 to i32
    %sign3A_15 = arith.subi %sign3A_11, %sign3A_14 : i32
    %sign3A_16 = arith.constant 0 : i32
    %sign3A_17 = arith.cmpi sgt, %jit3A, %sign3A_16 : i32
    %sign3A_18 = arith.extui %sign3A_17 : i1 to i32
    %sign3A_19 = arith.constant 0 : i32
    %sign3A_20 = arith.cmpi slt, %jit3A, %sign3A_19 : i32
    %sign3A_21 = arith.extui %sign3A_20 : i1 to i32
    %sign3A_22 = arith.subi %sign3A_18, %sign3A_21 : i32
    %ne3A = arith.cmpi ne, %sign3A_15, %sign3A_22 : i32
    %rem3A = arith.remsi %add3A, %jit3A : i32
    %ne3A_23 = arith.constant 0 : i32
    %ne3A_24 = arith.cmpi ne, %rem3A, %ne3A_23 : i32
    %and3A = arith.andi %ne3A, %ne3A_24 : i1
    %sub3A = arith.constant 1 : i32
    %sub3A_25 = arith.subi %div3A, %sub3A : i32
    %select_n3A = arith.select %and3A, %sub3A_25, %div3A : i32
    %mul3A_26 = arith.constant 64 : i32
    %mul3A_27 = arith.muli %select_n3A, %mul3A_26 : i32
    %jit3A_28 = arith.constant 8 : i32
    %eq3A = arith.constant 0 : i32
    %eq3A_29 = arith.cmpi eq, %jit3A_28, %eq3A : i32
    %jit3A_30 = arith.constant 1 : i32
    %select_n3A_31 = arith.select %eq3A_29, %jit3A_30, %jit3A_28 : i32
    %rem3A_32 = arith.remsi %add3A, %select_n3A_31 : i32
    %ne3A_33 = arith.constant 0 : i32
    %ne3A_34 = arith.cmpi ne, %rem3A_32, %ne3A_33 : i32
    %lt3A = arith.constant 0 : i32
    %lt3A_35 = arith.cmpi slt, %rem3A_32, %lt3A : i32
    %lt3A_36 = arith.constant 0 : i32
    %lt3A_37 = arith.cmpi slt, %select_n3A_31, %lt3A_36 : i32
    %ne3A_38 = arith.xori %lt3A_35, %lt3A_37 : i1
    %and3A_39 = arith.andi %ne3A_38, %ne3A_34 : i1
    %add3A_40 = arith.addi %rem3A_32, %select_n3A_31 : i32
    %select_n3A_41 = arith.select %and3A_39, %add3A_40, %rem3A_32 : i32
    "tpu.region"() ({
      %run_scoped3A = tpu.sem_alloc : memref<!tpu.dma_semaphore, #tpu.memory_space<semaphore_mem>>
      %dma_start3A = arith.constant 0 : i32
      %dma_start3A_42 = tpu.memref_slice %arg3[%mul3A_27, %select_n3A_41, %dma_start3A] : memref<256x8x128xi32, #tpu.memory_space<hbm>> -> memref<64x1x128xi32, #tpu.memory_space<hbm>>
      %dma_start3A_43 = arith.constant 0 : i32
      %dma_start3A_44 = tpu.memref_slice %arg3[%mul3A_27, %select_n3A_41, %dma_start3A_43] : memref<256x8x128xi32, #tpu.memory_space<hbm>> -> memref<64x1x128xi32, #tpu.memory_space<hbm>>
      tpu.enqueue_dma source(%arg5 : memref<64x1x128xi32, #tpu.memory_space<vmem>>) target(%dma_start3A_44 : memref<64x1x128xi32, #tpu.memory_space<hbm>>) target_semaphore(%run_scoped3A : memref<!tpu.dma_semaphore, #tpu.memory_space<semaphore_mem>>)
      %dma_wait3A = arith.constant 0 : i32
      %dma_wait3A_45 = tpu.memref_slice %arg3[%mul3A_27, %select_n3A_41, %dma_wait3A] : memref<256x8x128xi32, #tpu.memory_space<hbm>> -> memref<64x1x128xi32, #tpu.memory_space<hbm>>
      %dma_wait3A_46 = arith.constant 0 : i32
      %dma_wait3A_47 = tpu.memref_slice %arg3[%mul3A_27, %select_n3A_41, %dma_wait3A_46] : memref<256x8x128xi32, #tpu.memory_space<hbm>> -> memref<64x1x128xi32, #tpu.memory_space<hbm>>
      tpu.wait_dma2 semaphore(%run_scoped3A : memref<!tpu.dma_semaphore, #tpu.memory_space<semaphore_mem>>) src(%arg5 : memref<64x1x128xi32, #tpu.memory_space<vmem>>) dst(%dma_wait3A_47 : memref<64x1x128xi32, #tpu.memory_space<hbm>>)
      tpu.yield
    }) : () -> ()
    return
  }
}

</mosaic_0001>

<sc_bundles>
// kernel: kernel.3.cloned.1.call-start
scs
__scs_entry_jumppad:
0x0: {  	(pc) =	sbr.rel $0x88, $3  }
0x1: {  	(tag) =	ssettag $0x0;
	lr =	simm.s32 $0x1  }
0x2: {  	[smem:$0x3FA0] =	sst lr;
	_ =	strace $0xD0000000  }
0x3: {  	_ = 	snop  }
0x4: {  	_ = 	snop  }
0x5: {  	_ = 	snop  }
0x6: {  	_ = 	snop  }
0x7: {  	_ = 	snop  }
__scs_overlays_trampoline_lowered:
0x8: {  	[smem:$0x3FAF] =	sst s0  }
0x9: {  	[smem:$0x3FB0] =	sst s1  }
0xa: {  	[smem:$0x3FB1] =	sst s2  }
0xb: {  	[smem:$0x3FB2] =	sst s3  }
0xc: {  	[smem:$0x3FB3] =	sst s4  }
0xd: {  	[smem:$0x3FB4] =	sst s5  }
0xe: {  	[smem:$0x3FB5] =	sst s6  }
0xf: {  	[smem:$0x3FB6] =	sst s7  }
0x10: {  	[smem:$0x3FB7] =	sst s8  }
0x11: {  	[smem:$0x3FB8] =	sst s9;
	s0 =	simm.s32 @!p0 $0x0  }
0x12: {  	s1 =	sld [smem:$0x3F9E];
	s0 =	simm.s32 @p0 $0x1  }
0x13: {  	[smem:$0x3FB9] =	sst s0;
	s0 =	simm.s32 @!p1 $0x0  }
0x14: {  	s2 =	sld [smem:$0x3F9D];
	s0 =	simm.s32 @p1 $0x1  }
0x15: {  	[smem:$0x3FBA] =	sst s0;
	s0 =	simm.s32 @!p2 $0x0  }
0x16: {  	s3 =	sld [smem:$0x3FDB];
	s0 =	simm.s32 @p2 $0x1  }
0x17: {  	s4 =	simm.s32 $0x1BF5;
	[smem:$0x3FBC] =	sst s0  }
0x18: {  	s0 =	sld [smem:$0x3F9F];
	_ =	swait.ge [sflag:s4], $0x0  }
0x19: {  	s7 =	sld [smem:$0x3FA0]  }
0x1a: {  	s8 =	sadd.s32 $0xFFFFE003, lr  }
0x1b: {  	s9 =	sadd.s32 $0xFFFFFEF7, lr;
	s5 =	simm.s32 $0xFFFFFFFF;
	p2 =	slt.u32 s8, $0xFFFFF086  }
0x1c: {  	p1 =	slt.u32 s9, $0xF7A;
	s5 =	simm.s32 @!p2 $0x0  }
0x1d: {  	s5 =	simm.s32 @p1 $0x1;
	p0 =	seq.s32 s7, s2  }
0x1e: {  	s7 =	smul.u32 @!p0 $0xF7A, s2;
	p2 =	seq.s32 @!p0 s5, $0x0  }
0x1f: {  	s9 =	smul.u32 $0xF7A, s1;
	s8 =	simm.s32 @!p0 $0x1BF5;
	p2 =	por !p2, p0  }
0x20: {  	[sflag:s8] =	ssyncset.s32 @!p0 $0xFFFFF086;
	s6 =	sadd.s32 @!p0 s3, s7;
	s7 =	simm.s32 @!p0 $0x108  }
0x21: {  	s3 =	sadd.s32 s3, s9;
	s6 =	sadd.s32 @!p0 $0x88, s6;
	s7 =	simm.s32 @p2 $0x1082  }
0x22: {  	[simem:s7], [sflag:s8] =	dma.local @!p0 [hbm:s6], $0xF7A  }
0x23: {  	s9 =	sor.u32 $0xD0000000, s2;
	s6 =	simm.s32 $0x108;
	_ =	swait.ge @!p0 [sflag:s8], $0x0  }
0x24: {  	s3 =	sadd.s32 $0x88, s3;
	s6 =	simm.s32 @!p1 $0x1082;
	[sflag:s4] =	ssyncset.s32 $0xFFFFF086  }
0x25: {  	[simem:s6], [sflag:s4] =	dma.local [hbm:s3], $0xF7A  }
0x26: {  	[smem:$0x3FA0] =	sst s1;
	(tag) =	ssettag s2;
	_ =	strace s9  }
0x27: {  	s1 =	sld [smem:$0x3FB0]  }
0x28: {  	s2 =	sld [smem:$0x3FB1]  }
0x29: {  	s4 =	sld [smem:$0x3FB3]  }
0x2a: {  	p0 =	seq.s32 s5, $0x0;
	s5 =	sld [smem:$0x3FB4]  }
0x2b: {  	s6 =	sld [smem:$0x3FB5]  }
0x2c: {  	s7 =	sld [smem:$0x3FB6]  }
0x2d: {  	s3 =	simm.s32 $0x108;
	s8 =	sld [smem:$0x3FB7]  }
0x2e: {  	s3 =	simm.s32 @!p0 $0x1082;
	s9 =	sld [smem:$0x3FB8]  }
0x2f: {  	lr =	sadd.s32 s0, s3;
	s0 =	sld [smem:$0x3FAF]  }
0x30: {  	s3 =	sld [smem:$0x3FB2]  }
0x31: {  	[smem:$0x3FBB] =	sst s10  }
0x32: {  	s10 =	sld [smem:$0x3FB9];
	_ =	sdelay $0x3  }
0x33: {  	p0 =	seq.s32 s10, $0x1;
	s10 =	sld [smem:$0x3FBB];
	_ =	sdelay $0x3  }
0x34: {  	[smem:$0x3FBB] =	sst s10  }
0x35: {  	s10 =	sld [smem:$0x3FBA];
	_ =	sdelay $0x3  }
0x36: {  	p1 =	seq.s32 s10, $0x1;
	s10 =	sld [smem:$0x3FBB];
	_ =	sdelay $0x3  }
0x37: {  	[smem:$0x3FBB] =	sst s10  }
0x38: {  	s10 =	sld [smem:$0x3FBC]  }
0x39: {  	_ = 	snop;
	(pc) =	sbr.ind lr, $3  }
0x3a: {  	_ = 	snop  }
0x3b: {  	_ = 	snop  }
0x3c: {  	p2 =	seq.s32 s10, $0x1;
	s10 =	sld [smem:$0x3FBB]  }
0x3d: {  	_ =	shalt  }
0x3e: {  	_ =	shalt  }
0x3f: {  	_ =	shalt  }
0x40: {  	_ =	shalt  }
0x41: {  	_ =	shalt  }
0x42: {  	_ =	shalt  }
0x43: {  	_ =	shalt  }
0x44: {  	_ =	shalt  }
0x45: {  	_ =	shalt  }
0x46: {  	_ =	shalt  }
0x47: {  	_ =	shalt  }
0x48: {  	_ =	shalt  }
0x49: {  	_ =	shalt  }
0x4a: {  	_ =	shalt  }
0x4b: {  	_ =	shalt  }
0x4c: {  	_ =	shalt  }
0x4d: {  	_ =	shalt  }
0x4e: {  	_ =	shalt  }
0x4f: {  	_ =	shalt  }
0x50: {  	_ =	shalt  }
0x51: {  	_ =	shalt  }
0x52: {  	_ =	shalt  }
0x53: {  	_ =	shalt  }
0x54: {  	_ =	shalt  }
0x55: {  	_ =	shalt  }
0x56: {  	_ =	shalt  }
0x57: {  	_ =	shalt  }
0x58: {  	_ =	shalt  }
0x59: {  	_ =	shalt  }
0x5a: {  	_ =	shalt  }
0x5b: {  	_ =	shalt  }
0x5c: {  	_ =	shalt  }
0x5d: {  	_ =	shalt  }
0x5e: {  	_ =	shalt  }
0x5f: {  	_ =	shalt  }
0x60: {  	_ =	shalt  }
0x61: {  	_ =	shalt  }
0x62: {  	_ =	shalt  }
0x63: {  	_ =	shalt  }
0x64: {  	_ =	shalt  }
0x65: {  	_ =	shalt  }
0x66: {  	_ =	shalt  }
0x67: {  	_ =	shalt  }
0x68: {  	_ =	shalt  }
0x69: {  	_ =	shalt  }
0x6a: {  	_ =	shalt  }
0x6b: {  	_ =	shalt  }
0x6c: {  	_ =	shalt  }
0x6d: {  	_ =	shalt  }
0x6e: {  	_ =	shalt  }
0x6f: {  	_ =	shalt  }
0x70: {  	_ =	shalt  }
0x71: {  	_ =	shalt  }
0x72: {  	_ =	shalt  }
0x73: {  	_ =	shalt  }
0x74: {  	_ =	shalt  }
0x75: {  	_ =	shalt  }
0x76: {  	_ =	shalt  }
0x77: {  	_ =	shalt  }
0x78: {  	_ =	shalt  }
0x79: {  	_ =	shalt  }
0x7a: {  	_ =	shalt  }
0x7b: {  	_ =	shalt  }
0x7c: {  	_ =	shalt  }
0x7d: {  	_ =	shalt  }
0x7e: {  	_ =	shalt  }
0x7f: {  	_ =	shalt  }
0x80: {  	_ =	shalt  }
0x81: {  	_ =	shalt  }
0x82: {  	_ =	shalt  }
0x83: {  	_ =	shalt  }
0x84: {  	_ =	shalt  }
0x85: {  	_ =	shalt  }
0x86: {  	_ =	shalt  }
0x87: {  	_ =	shalt  }
.Lfunc_end0:
.L_simem_size_0:
called_computation_lowered:
.L_overlay_start_0:
0x88: {  	s2 =	sld [smem:$0x3FD9]  }
0x89: {  	s3 =	sld [smem:$0x3FFE];
	_ =	sdelay $0x1  }
0x8a: {  	s1 =	srdreg.scid  }
0x8b: {  	s0 =	sand.u32 $0x1, s1  }
0x8c: {  	s18 =	sshll.u32 s0, $0xA;
	s2 =	sadd.s32 s3, s2  }
0x8d: {  	s2 =	sadd.s32 s2, s18  }
0x8e: {  	[smem:$0x3FC7] =	sst s2  }
0x8f: {  	_ = 	snop  }
0x90: {  	s2 =	sld [smem:$0x3FC9]  }
0x91: {  	s19 =	sld [smem:$0x3FD0];
	(tm) =	ssettm $0x1  }
0x92: {  	s4 =	sld [smem:$0x3FFB];
	_ =	sdelay $0x3  }
0x93: {  	_ =	strace s4  }
0x94: {  	s4 =	sld [smem:$0x3FFC];
	_ =	sdelay $0x3  }
0x95: {  	_ =	strace s4  }
0x96: {  	s4 =	sld [smem:$0x3FFD];
	_ =	sdelay $0x3  }
0x97: {  	_ =	strace s4  }
0x98: {  	_ =	strace $0x8FFFFFFF  }
0x99: {  	s20 =	sld [smem:$0x3FDB];
	_ =	sdelay $0x1  }
0x9a: {  	s5 =	simm.s32 $_scs_section_size  }
0x9b: {  	s6 =	simm.s32 $_size__tile_overlayer_lowered;
	s7 =	simm.s32 $_tile_overlayer_lowered  }
0x9c: {  	s23 =	simm.s32 $0x1BFF;
	s22 =	sshll.u32 s7, $0x1;
	s4 =	sadd.s32 s5, s20  }
0x9d: {  	s8 =	simm.s32 $0x0;
	s21 =	sshll.u32 s6, $0x1;
	s6 =	sadd.s32 s22, s4  }
0x9e: {  	[timem:s8], [sflag:s23] =	dma.local [hbm:s6], s21  }
0x9f: {  	_ =	swait.ge [sflag:s23], s21  }
0xa0: {  	s5 =	ssub.s32 $0x0, s21;
	[sflag:s23] =	ssyncset.done $0x0  }
0xa1: {  	[sflag:s23] =	ssyncadd.s32 s5;
	_ =	sdelay $0x1  }
0xa2: {  	s24 =	simm.s32 $0x1B8B  }
0xa3: {  	_ =	swait.ge [sflag:s24], $0x1  }
0xa4: {  	[sflag:s24] =	ssyncset.done $0x0  }
0xa5: {  	s25 =	simm.s32 $0x1B8E;
	[sflag:s24] =	ssyncadd.s32 $0xFFFFFFFF  }
0xa6: {  	s26 =	simm.s32 $execute0_lowered;
	[smem:$0x3FD2] =	sst s25  }
0xa7: {  	s5 =	sshll.u32 s26, $0x1;
	_ =	strace $0x80000046;
	[dreg:$0x1] =	wrdreg $0xFFFFFFFF  }
0xa8: {  	s28 =	simm.s32 $_size_execute0_lowered;
	s4 =	sadd.s32 s4, s5;
	[dreg:$0x0] =	wrdreg $0x0  }
0xa9: {  	s5 =	sshll.u32 s28, $0x1;
	[dreg:$0x2] =	wrdreg s4  }
0xaa: {  	[dreg:$0x3] =	wrdreg s5  }
0xab: {  	[dreg:$0x4] =	wrdreg $0xC0  }
0xac: {  	_ =	task [dreg:s8], $0x5FFFF  }
0xad: {  	[dreg:$0x1] =	wrdreg $0xFFFFFFFF  }
0xae: {  	[dreg:$0x0] =	wrdreg $0x60  }
0xaf: {  	[dreg:$0x2] =	wrdreg s2  }
0xb0: {  	[dreg:$0x3] =	wrdreg s19  }
0xb1: {  	[dreg:$0x4] =	wrdreg $0x9  }
0xb2: {  	_ =	task.clear_ibuf [dreg:s8], $0x5FFFF;
	_ =	strace $0x90000046  }
0xb3: {  	s29 =	simm.s32 $0x9;
	_ =	strace $0x80000048  }
0xb4: {  	_ =	swait.ge [sflag:s29], $0x1  }
0xb5: {  	[sflag:s29] =	ssyncadd.s32 $0xFFFFFFFF  }
0xb6: {  	_ =	strace $0x90000048  }
0xb7: {  	_ =	sfence  }
0xb8: {  	s30 =	sld [smem:$0x0];
	_ =	sdelay $0x2  }
0xb9: {  	s31 =	sshll.u32 s1, $0xD;
	s1 =	sshrl.u32 s1, $0x2  }
0xba: {  	s3 =	sand.u32 $0x4000, s31;
	s1 =	sadd.s32 s1, s30  }
0xbb: {  	s0 =	sor.u32 s3, s0;
	s1 =	sshll.u32 s1, $0x11  }
0xbc: {  	s0 =	sor.u32 s1, s0  }
0xbd: {  	s0 =	sadd.s32 $0x8F2B, s0  }
0xbe: {  	[sflag:s0] =	ssyncadd.remote.s32 $0x1  }
0xbf: {  	_ =	sfence.sel $0xFFFF  }
0xc0: {  	[dreg:$0x0] =	wrdreg $0xFFFFFFFF;
	(pc) =	sbr.abs _section_cstart, $3  }
0xc1: {  	[dreg:$0x1] =	wrdreg $0xFFFFFFFF  }
0xc2: {  	_ =	task.clear_ibuf [dreg:s8], $0x2FFFF;
	_ =	strace $0x9FFFFFFF  }
0xc3: {  	(tm) =	ssettm $0x7FFFFFFF  }
tec
execute0_lowered:
.L_overlay_start_1:
0x0: {  	(tag) =	ssettag $0x1  }
0x1: {  	s3 =	rddreg [dreg:$0x0]  }
0x2: {  	s4 =	rddreg [dreg:$0x1]  }
0x3: {  	s0 =	rddreg [dreg:$0x2];
	s2 =	simm.s32 $0x0  }
0x4: {  	s5 =	srdreg.scid;
	s1 =	stileid.u32;
	s10 =	simm.s32 $0x0  }
0x5: {  	[smem:$0x7FF] =	sst s2;
	s5 =	sand.u32 $0x1, s5;
	s6 =	sshll.u32 s1, $0x1  }
0x6: {  	s30 =	sshll.u32 s1, $0xB;
	_ =	strace $0x80000047;
	s7 =	ssub.s32 $0x2, s5  }
0x7: {  	s5 =	sor.u32 s5, s6;
	s6 =	sand.u32 $0x6000, s30;
	s8 =	sshrl.u32 s7, $0x1  }
0x8: {  	s9 =	sshll.u32 s5, $0x4;
	s5 =	sshll.u32 s5, $0xD;
	s4 =	sadd.s32 s4, s6  }
0x9: {  	s6 =	simm.s32 $0x1;
	s9 =	sand.u32 $0x70, s9;
	s31 =	ssub.s32 s7, s8  }
0xa: {  	s3 =	sadd.s32 s3, s5;
	s7 =	simm.s32 $0x80;
	s8 =	simm.s32 $0x400  }
0xb: {  	v0 =	vimm.s32 $0x0;
	s4 =	sadd.s32 s9, s4;
	s5 =	smax.u32 s31, $0x1;
	s9 =	simm.s32 $0x10000  }
.LBB2_1:
0xc: {  	[tilespmem:s2], [sflag:$0x1] =	stream.linear.gather [hbm4b:s3+s2], $0x10000, $0x38;
	[tilespmem:$0x12000] =	vst v63  }
0xd: {  	_ =	swait.ge [sflag:s6], $0x10000  }
0xe: {  	s12 =	sand.u32 $0x7E00, s2;
	s11 =	sand.u32 $0x70, s2;
	[sflag:s6] =	ssyncset.done $0x0  }
0xf: {  	s15 =	sor.u32 s11, s12;
	[sflag:s6] =	ssyncadd.s32 $0xFFFF0000  }
0x10: {  	v1 =	vld [tilespmem:s15+$0x8180]  }
0x11: {  	v3 =	vld [tilespmem:s15+$0x8100]  }
0x12: {  	v7 =	vld [tilespmem:s15+$0x8080];
	_ =	sdelay $0x3  }
0x13: {  	v2 =	vadd.s32 $0x8000, v1  }
0x14: {  	v6 =	vld [tilespmem:s15+$0x8000];
	v5 =	vadd.s32 $0x8000, v3;
	v3 =	vmul.f32 v3, v3;
	v9 =	vadd.s32 $0x8000, v7  }
0x15: {  	v4 =	vand.u32 $0xFFFF0000, v2;
	v2 =	vmul.f32 v1, v1;
	v8 =	vand.u32 $0xFFFF0000, v5  }
0x16: {  	vm1 =	vgt.f32 v4, $5.000000000e-01;
	vm0 =	veq.f32 v4, $5.000000000e-01;
	vm2 =	vgt.f32 v8, $5.000000000e-01  }
0x17: {  	s13 =	simm.s32 $0x40;
	s14 =	simm.s32 $0x0;
	v5 =	vld [tilespmem:s15+$0x180];
	v1 =	vnsel vm1, $0x0, v4;
	v4 =	vsel vm1, $0x80, v0;
	vm1 =	veq.f32 v8, $5.000000000e-01  }
.LBB2_2:
0x18: {  	p0 =	sne.s32 s13, $0x7FC0;
	v10 =	vld [tilespmem:s15+$0x80];
	v9 =	vand.u32 $0xFFFF0000, v9;
	v11 =	vsel vm2, $0x40, v0;
	v8 =	vnsel vm2, $0x0, v8  }
0x19: {  	v7 =	vmul.f32 v7, v7;
	v12 =	vld [tilespmem:s15+$0x0];
	v13 =	vadd.s32 $0x8000, v6;
	vm3 =	vgt.f32 v9, $5.000000000e-01  }
0x1a: {  	vm2 =	veq.f32 v9, $5.000000000e-01;
	v14 =	vld [tilespmem:s15+$0x100];
	v13 =	vand.u32 $0xFFFF0000, v13;
	v9 =	vnsel vm3, $0x0, v9  }
0x1b: {  	v6 =	vmul.f32 v6, v6;
	v15 =	vsel vm3, $0x20, v0;
	vm4 =	veq.f32 v13, $5.000000000e-01  }
0x1c: {  	vm3 =	vgt.f32 v13, $5.000000000e-01;
	v16 =	vadd.s32 $0x8000, v5;
	v17 =	vsel vm4, $0x10, v0  }
0x1d: {  	v18 =	vsel vm3, $0x10, v0;
	v13 =	vnsel vm3, $0x0, v13;
	v16 =	vand.u32 $0xFFFF0000, v16  }
0x1e: {  	v20 =	vadd.s32 $0x8000, v10;
	v19 =	vadd.s32 $0x8000, v12;
	vm4 =	vgt.f32 v16, $5.000000000e-01  }
0x1f: {  	v20 =	vand.u32 $0xFFFF0000, v20;
	v19 =	vand.u32 $0xFFFF0000, v19;
	v21 =	vadd.s32 $0x8000, v14  }
0x20: {  	vm3 =	vgt.f32 v20, $5.000000000e-01;
	v22 =	vadd.f32 $0.0e+00, v19;
	v21 =	vand.u32 $0xFFFF0000, v21  }
0x21: {  	vm5 =	vgt.f32 v19, $5.000000000e-01;
	v23 =	vsel vm3, $0x2, v0;
	vm6 =	vgt.f32 v21, $5.000000000e-01  }
0x22: {  	v25 =	vnsel vm3, $0x0, v20;
	v24 =	vsel vm5, $0x1, v0;
	v22 =	vnsel vm5, $0x0, v22  }
0x23: {  	v23 =	vor.u32 v24, v23;
	v24 =	vsel vm6, $0x4, v0;
	v22 =	vadd.f32 v25, v22  }
0x24: {  	v23 =	vor.u32 v24, v23;
	v24 =	vnsel vm6, $0x0, v21;
	v25 =	vsel vm4, $0x8, v0  }
0x25: {  	v5 =	vmul.f32 v5, v5;
	v23 =	vor.u32 v25, v23;
	v22 =	vadd.f32 v24, v22  }
0x26: {  	vm3 =	veq.f32 v16, $5.000000000e-01;
	v16 =	vnsel vm4, $0x0, v16;
	v18 =	vor.u32 v18, v23  }
0x27: {  	v14 =	vmul.f32 v14, v14;
	v15 =	vor.u32 v15, v18;
	v16 =	vadd.f32 v16, v22  }
0x28: {  	v2 =	vadd.f32 v2, v5;
	vm4 =	veq.f32 v21, $5.000000000e-01;
	v11 =	vor.u32 v11, v15  }
0x29: {  	v3 =	vadd.f32 v3, v14;
	v4 =	vor.u32 v4, v11;
	v5 =	vadd.f32 v13, v16  }
0x2a: {  	v10 =	vmul.f32 v10, v10;
	v13 =	vsel vm4, $0x4, v0;
	v14 =	vshrl.u32 v4, $0x1  }
0x2b: {  	v5 =	vadd.f32 v9, v5;
	v9 =	vand.u32 $0x55, v11;
	v11 =	vand.u32 $0x55, v14  }
0x2c: {  	v12 =	vmul.f32 v12, v12;
	vm4 =	veq.f32 v20, $5.000000000e-01;
	v9 =	vadd.s32 v9, v11  }
0x2d: {  	v7 =	vadd.f32 v7, v10;
	v5 =	vadd.f32 v8, v5;
	v8 =	vshrl.u32 v9, $0x2  }
0x2e: {  	v6 =	vadd.f32 v6, v12;
	v9 =	vand.u32 $0x33, v9;
	v8 =	vand.u32 $0x33, v8  }
0x2f: {  	v10 =	vsel vm4, $0x2, v0;
	v1 =	vadd.f32 v1, v5;
	v5 =	vadd.s32 v9, v8  }
0x30: {  	v2 =	vadd.f32 v2, v7;
	v3 =	vadd.f32 v3, v6;
	v6 =	vshrl.u32 v5, $0x4  }
0x31: {  	vm4 =	veq.f32 v19, $5.000000000e-01;
	v5 =	vadd.s32 v5, v6;
	v1 =	vadd.f32 v1, v1  }
0x32: {  	v2 =	vadd.f32 v2, v3;
	v6 =	vsel vm4, $0x1, v0;
	v3 =	vand.u32 $0xF, v5  }
0x33: {  	v5 =	vor.u32 v6, v10;
	v3 =	vcvt.s32.f32 v3;
	v6 =	vadd.f32 $1.000000000e+00, v1  }
0x34: {  	v7 =	vsel vm3, $0x8, v0;
	v5 =	vor.u32 v13, v5;
	v1 =	vsub.f32 v2, v1  }
0x35: {  	v5 =	vor.u32 v7, v5;
	v2 =	vsub.f32 v2, v6;
	v6 =	vadd.f32 $1.000000000e+00, v3  }
0x36: {  	v8 =	vsel vm1, $0x40, v0;
	v7 =	vsel vm2, $0x20, v0;
	v5 =	vor.u32 v17, v5  }
0x37: {  	v1 =	vadd.f32 v3, v1;
	v5 =	vor.u32 v7, v5;
	v2 =	vadd.f32 v6, v2  }
0x38: {  	v3 =	vor.u32 v8, v5;
	v5 =	vsel vm0, $0x80, v0  }
0x39: {  	v3 =	vor.u32 v5, v3;
	vm0 =	vlt.f32 v2, v1  }
0x3a: {  	s14 =	sadd.s32 $0x10, s14;
	s15 =	sshrl.u32 s12, $0x2;
	v1 =	vnsel vm0, $0x0, v3  }
0x3b: {  	s12 =	sand.u32 $0x7E00, s13;
	s16 =	sor.u32 s11, s15;
	s11 =	sand.u32 $0x70, s14;
	v1 =	vor.u32 v4, v1  }
0x3c: {  	s15 =	sor.u32 s11, s12;
	[tilespmem:s16+$0x10000] =	vst v1  }
0x3d: {  	v1 =	vld [tilespmem:s15+$0x8180];
	_ =	sdelay $0x2  }
0x3e: {  	v3 =	vld [tilespmem:s15+$0x8100];
	_ =	sdelay $0x1  }
0x3f: {  	v7 =	vld [tilespmem:s15+$0x8080];
	v2 =	vadd.s32 $0x8000, v1  }
.Ltmp0:
0x40: {  	v4 =	vand.u32 $0xFFFF0000, v2;
	(pc) =	sbr.rel @p0 .LBB2_2-.Ltmp0, $4  }
0x41: {  	v2 =	vmul.f32 v1, v1;
	v6 =	vld [tilespmem:s15+$0x8000];
	vm1 =	vgt.f32 v4, $5.000000000e-01  }
0x42: {  	vm0 =	veq.f32 v4, $5.000000000e-01;
	v5 =	vadd.s32 $0x8000, v3;
	v1 =	vnsel vm1, $0x0, v4  }
0x43: {  	v3 =	vmul.f32 v3, v3;
	v4 =	vsel vm1, $0x80, v0;
	v8 =	vand.u32 $0xFFFF0000, v5  }
0x44: {  	s13 =	sadd.s32 $0x40, s13;
	v5 =	vld [tilespmem:s15+$0x180];
	v9 =	vadd.s32 $0x8000, v7;
	vm2 =	vgt.f32 v8, $5.000000000e-01;
	vm1 =	veq.f32 v8, $5.000000000e-01  }
0x45: {  	v10 =	vld [tilespmem:s15+$0x80]  }
0x46: {  	v9 =	vand.u32 $0xFFFF0000, v9;
	v11 =	vsel vm2, $0x40, v0;
	v8 =	vnsel vm2, $0x0, v8;
	v12 =	vld [tilespmem:s15+$0x0]  }
0x47: {  	v7 =	vmul.f32 v7, v7;
	v14 =	vld [tilespmem:s15+$0x100];
	v13 =	vadd.s32 $0x8000, v6;
	vm3 =	vgt.f32 v9, $5.000000000e-01  }
0x48: {  	vm15 =	veq.f32 v9, $5.000000000e-01;
	v42 =	vmul.f32 v6, v6;
	v13 =	vand.u32 $0xFFFF0000, v13  }
0x49: {  	v9 =	vnsel vm3, $0x0, v9;
	v15 =	vsel vm3, $0x20, v0;
	vm4 =	veq.f32 v13, $5.000000000e-01  }
0x4a: {  	vm8 =	vgt.f32 v13, $5.000000000e-01;
	v16 =	vadd.s32 $0x8000, v5;
	v17 =	vsel vm4, $0x10, v0  }
0x4b: {  	v18 =	vsel vm8, $0x10, v0;
	v13 =	vnsel vm8, $0x0, v13;
	v16 =	vand.u32 $0xFFFF0000, v16  }
0x4c: {  	v19 =	vadd.s32 $0x8000, v12;
	v20 =	vadd.s32 $0x8000, v10;
	v21 =	vadd.s32 $0x8000, v14  }
0x4d: {  	vm9 =	vgt.f32 v16, $5.000000000e-01;
	v19 =	vand.u32 $0xFFFF0000, v19;
	v20 =	vand.u32 $0xFFFF0000, v20  }
0x4e: {  	v21 =	vand.u32 $0xFFFF0000, v21;
	v22 =	vadd.f32 $0.0e+00, v19;
	vm10 =	vgt.f32 v20, $5.000000000e-01  }
0x4f: {  	vm5 =	vgt.f32 v19, $5.000000000e-01;
	vm6 =	vgt.f32 v21, $5.000000000e-01;
	v23 =	vsel vm10, $0x2, v0  }
0x50: {  	v24 =	vsel vm5, $0x1, v0;
	v25 =	vnsel vm10, $0x0, v20;
	v22 =	vnsel vm5, $0x0, v22  }
0x51: {  	v43 =	vsel vm6, $0x4, v0;
	v23 =	vor.u32 v24, v23;
	v22 =	vadd.f32 v25, v22  }
0x52: {  	v45 =	vsel vm9, $0x8, v0;
	v44 =	vnsel vm6, $0x0, v21;
	v23 =	vor.u32 v43, v23  }
0x53: {  	v46 =	vmul.f32 v5, v5;
	v23 =	vor.u32 v45, v23;
	v22 =	vadd.f32 v44, v22  }
0x54: {  	vm11 =	veq.f32 v16, $5.000000000e-01;
	v16 =	vnsel vm9, $0x0, v16;
	v18 =	vor.u32 v18, v23  }
0x55: {  	v14 =	vmul.f32 v14, v14;
	v15 =	vor.u32 v15, v18;
	v16 =	vadd.f32 v16, v22  }
0x56: {  	v10 =	vmul.f32 v10, v10;
	v12 =	vmul.f32 v12, v12;
	v11 =	vor.u32 v11, v15  }
0x57: {  	v2 =	vadd.f32 v2, v46;
	v4 =	vor.u32 v4, v11;
	v47 =	vadd.f32 v13, v16  }
0x58: {  	vm12 =	veq.f32 v21, $5.000000000e-01;
	v3 =	vadd.f32 v3, v14;
	v49 =	vshrl.u32 v4, $0x1  }
0x59: {  	v50 =	vand.u32 $0x55, v11;
	v51 =	vand.u32 $0x55, v49;
	v5 =	vadd.f32 v9, v47  }
0x5a: {  	vm13 =	veq.f32 v20, $5.000000000e-01;
	v7 =	vadd.f32 v7, v10;
	v9 =	vadd.s32 v50, v51  }
0x5b: {  	v6 =	vadd.f32 v42, v12;
	v52 =	vshrl.u32 v9, $0x2;
	v5 =	vadd.f32 v8, v5  }
0x5c: {  	vm14 =	veq.f32 v19, $5.000000000e-01;
	v9 =	vand.u32 $0x33, v9;
	v8 =	vand.u32 $0x33, v52  }
0x5d: {  	v48 =	vsel vm12, $0x4, v0;
	v54 =	vadd.s32 v9, v8;
	v1 =	vadd.f32 v1, v5  }
0x5e: {  	v3 =	vadd.f32 v3, v6;
	v2 =	vadd.f32 v2, v7;
	v55 =	vshrl.u32 v54, $0x4  }
0x5f: {  	v53 =	vsel vm13, $0x2, v0;
	v5 =	vadd.s32 v54, v55;
	v1 =	vadd.f32 v1, v1  }
0x60: {  	v56 =	vsel vm14, $0x1, v0;
	v2 =	vadd.f32 v2, v3;
	v3 =	vand.u32 $0xF, v5  }
0x61: {  	v57 =	vor.u32 v56, v53;
	v3 =	vcvt.s32.f32 v3;
	v58 =	vadd.f32 $1.000000000e+00, v1  }
0x62: {  	v59 =	vsel vm11, $0x8, v0;
	v5 =	vor.u32 v48, v57;
	v1 =	vsub.f32 v2, v1  }
0x63: {  	v5 =	vor.u32 v59, v5;
	v60 =	vadd.f32 $1.000000000e+00, v3;
	v2 =	vsub.f32 v2, v58  }
0x64: {  	v62 =	vsel vm1, $0x40, v0;
	v61 =	vsel vm15, $0x20, v0;
	v5 =	vor.u32 v17, v5  }
0x65: {  	v5 =	vor.u32 v61, v5;
	v1 =	vadd.f32 v3, v1;
	v2 =	vadd.f32 v60, v2  }
0x66: {  	v63 =	vsel vm0, $0x80, v0;
	v3 =	vor.u32 v62, v5  }
0x67: {  	v3 =	vor.u32 v63, v3;
	vm15 =	vlt.f32 v2, v1  }
0x68: {  	s12 =	sshrl.u32 s12, $0x2;
	s10 =	sadd.s32 $0x1, s10;
	v1 =	vnsel vm15, $0x0, v3  }
0x69: {  	s11 =	sor.u32 s11, s12;
	p0 =	sne.s32 s10, s5;
	v1 =	vor.u32 v4, v1  }
.Ltmp1:
0x6a: {  	[tilespmem:s11+$0x10000] =	vst v1;
	(pc) =	sbr.rel @p0 .LBB2_1-.Ltmp1, $4  }
0x6b: {  	[hbm4b:s4+s7] =	stream.strided.scatter [tilespmem:s9], [sflag:$0x1], $0x2000, s8, s7, $0x38;
	[tilespmem:$0x12000] =	vst v63  }
0x6c: {  	_ =	swait.ge [sflag:s6], $0x2000  }
0x6d: {  	[sflag:s6] =	ssyncset.done $0x0  }
0x6e: {  	[sflag:s6] =	ssyncadd.s32 $0xFFFFE000  }
0x6f: {  	_ =	sfence.sel $0x180000  }
0x70: {  	[bflag:$0x0] =	sbarrier.arrive $0xFFFF  }
0x71: {  	p0 =	sne.s32 s1, $0x0;
	_ =	strace $0x90000047  }
0x72: {  	s0 =	sadd.s32 @!p0 $0x100000, s0;
	[bflag:$0x2] =	sbarrier.arrive $0xFFFF  }
0x73: {  	[sflag:s0] =	ssyncadd.tile.s32 @!p0 $0x1;
	_ =	shalt  }
.Lfunc_end2:
_tile_overlayer_lowered:
.L_overlay_start_2:
0x74: {  	(tag) =	ssettag $0x2  }
0x75: {  	s0 =	rddreg [dreg:$0x0];
	s2 =	stileid.u32  }
0x76: {  	s1 =	rddreg [dreg:$0x1];
	p0 =	sne.s32 s2, $0x0  }
0x77: {  	s3 =	rddreg [dreg:$0x2];
	[bflag:$0x3] =	sbarrier.arrive $0xFFFF;
	s2 =	simm.s32 @!p0 $0x1C01  }
0x78: {  	[timem:s3], [sflag:s2] =	dma.local @!p0 [hbm:s0], s1  }
0x79: {  	s0 =	simm.s32 @!p0 $0x1  }
0x7a: {  	_ =	swait.ge @!p0 [sflag:s0], s1  }
0x7b: {  	s1 =	ssub.s32 @!p0 $0x0, s1;
	[sflag:s0] =	ssyncset.done @!p0 $0x0  }
0x7c: {  	[sflag:s0] =	ssyncadd.s32 @!p0 s1  }
0x7d: {  	[bflag:$0x3] =	sbarrier.arrive $0xFFFF  }
0x7e: {  	_ =	shalt  }

</sc_bundles>
